<compile_context>
chip_gen: v7x
topology: tpu7x:2x2x1
jax: 0.10.2.dev20260603
libtpu: 0.0.44.dev20260713+nightly
codegen_flags: <defaults>
</compile_context>

<pallas_src>
import dataclasses
import functools

import jax
import jax.numpy as jnp
from jax import lax
from jax.experimental import pallas as pl
from jax.experimental.pallas import tpu as pltpu
from jax.experimental.pallas import tpu_sc as plsc

N_NODES_C = 100000
N_GRAPHS_C = 256
D_C = 128
BLOCK_R = 10000
N_BLOCKS = N_NODES_C // BLOCK_R

NW = 32
IDS_PAD = 100352
PER_W = IDS_PAD // NW
PAD_CNT = IDS_PAD - N_NODES_C

_sc_mesh = plsc.VectorSubcoreMesh(core_axis_name="c", subcore_axis_name="s")

_sc_cp = pltpu.CompilerParams()
if "needs_layout_passes" in pltpu.CompilerParams.__dataclass_fields__:
    _sc_cp = dataclasses.replace(_sc_cp, needs_layout_passes=False)


@functools.partial(
    pl.kernel,
    mesh=_sc_mesh,
    compiler_params=_sc_cp,
    out_type=jax.ShapeDtypeStruct((NW, N_GRAPHS_C), jnp.float32),
    scratch_types=[
        pltpu.VMEM((PER_W,), jnp.int32),
        pltpu.VMEM((16, N_GRAPHS_C), jnp.float32),
        pltpu.VMEM((N_GRAPHS_C,), jnp.float32),
    ],
)
def _sc_counts(ids_hbm, out_hbm, ids_v, acc_v, red_v):
    wid = lax.axis_index("s") * 2 + lax.axis_index("c")
    pltpu.sync_copy(ids_hbm.at[pl.ds(wid * PER_W, PER_W)], ids_v)

    zeros16 = jnp.zeros((16,), jnp.float32)

    @pl.loop(0, N_GRAPHS_C, step=16)
    def _(c):
        for r in range(16):
            acc_v[r, pl.ds(c, 16)] = zeros16

    ones16 = jnp.ones((16,), jnp.float32)
    lanes = lax.iota(jnp.int32, 16)

    @pl.loop(0, PER_W, step=16)
    def _(j):
        idx = ids_v[pl.ds(j, 16)]
        plsc.addupdate_scatter(acc_v, [lanes, idx], ones16)

    @pl.loop(0, N_GRAPHS_C, step=16)
    def _(c):
        s = acc_v[0, pl.ds(c, 16)]
        for r in range(1, 16):
            s = s + acc_v[r, pl.ds(c, 16)]
        red_v[pl.ds(c, 16)] = s

    pltpu.sync_copy(red_v, out_hbm.at[wid])


def _tc_sums_kernel(ids_ref, x_ref, sums_ref):
    i = pl.program_id(0)

    @pl.when(i == 0)
    def _():
        sums_ref[...] = jnp.zeros_like(sums_ref)

    ids = ids_ref[0, :, :].astype(jnp.int16)
    seg = lax.broadcasted_iota(jnp.int16, (N_GRAPHS_C, BLOCK_R), 0)
    onehot = jnp.where(ids == seg, jnp.bfloat16(1.0), jnp.bfloat16(0.0))
    xb = x_ref[...].astype(jnp.bfloat16)
    sums_ref[...] += jax.lax.dot_general(
        onehot, xb, (((1,), (0,)), ((), ())),
        preferred_element_type=jnp.float32)


def _tc_decode_kernel(sums_ref, cnt_ref, u_ref, w1a_ref, w1b_ref, b1_ref,
                      w2_ref, b2_ref, out_ref):
    counts = jnp.sum(cnt_ref[...], axis=0, keepdims=True)
    pad_adj = jnp.where(
        lax.broadcasted_iota(jnp.int32, (1, N_GRAPHS_C), 1) == N_GRAPHS_C - 1,
        jnp.float32(PAD_CNT), jnp.float32(0.0))
    inv = 1.0 / jnp.maximum(counts - pad_adj, 1.0)
    r = lax.broadcasted_iota(jnp.int16, (N_GRAPHS_C, N_GRAPHS_C), 0)
    c = lax.broadcasted_iota(jnp.int16, (N_GRAPHS_C, N_GRAPHS_C), 1)
    ident = jnp.where(r == c, jnp.bfloat16(1.0), jnp.bfloat16(0.0))
    invb = jnp.broadcast_to(inv.astype(jnp.bfloat16), (8, N_GRAPHS_C))
    inv_col = jax.lax.dot_general(
        ident, invb, (((1,), (1,)), ((), ())),
        preferred_element_type=jnp.float32)
    mean = sums_ref[...] * inv_col[:, 0:1]
    u1 = jax.lax.dot_general(
        mean, w1a_ref[...], (((1,), (0,)), ((), ())),
        preferred_element_type=jnp.float32)
    u1 += jax.lax.dot_general(
        u_ref[...], w1b_ref[...], (((1,), (0,)), ((), ())),
        preferred_element_type=jnp.float32)
    u1 = jnp.maximum(u1 + b1_ref[...], 0.0)
    out = jax.lax.dot_general(
        u1, w2_ref[...], (((1,), (0,)), ((), ())),
        preferred_element_type=jnp.float32)
    out_ref[...] = out + b2_ref[...]


@jax.jit
def kernel(x, u, graph_ids, W1, b1, W2, b2):
    ids32 = graph_ids.astype(jnp.int32)
    ids_blocks = ids32.reshape(N_BLOCKS, 1, BLOCK_R)
    ids_pad = jnp.concatenate(
        [ids32, jnp.full((PAD_CNT,), N_GRAPHS_C - 1, jnp.int32)])

    sums = pl.pallas_call(
        _tc_sums_kernel,
        grid=(N_BLOCKS,),
        in_specs=[
            pl.BlockSpec((1, 1, BLOCK_R), lambda i: (i, 0, 0)),
            pl.BlockSpec((BLOCK_R, D_C), lambda i: (i, 0)),
        ],
        out_specs=pl.BlockSpec((N_GRAPHS_C, D_C), lambda i: (0, 0)),
        out_shape=jax.ShapeDtypeStruct((N_GRAPHS_C, D_C), jnp.float32),
    )(ids_blocks, x)

    cnt_parts = _sc_counts(ids_pad)

    rep = lambda shape: pl.BlockSpec(shape, lambda: (0,) * len(shape))
    out = pl.pallas_call(
        _tc_decode_kernel,
        in_specs=[
            rep((N_GRAPHS_C, D_C)),
            rep((NW, N_GRAPHS_C)),
            rep((N_GRAPHS_C, D_C)),
            rep((D_C, D_C)),
            rep((D_C, D_C)),
            rep((1, D_C)),
            rep((D_C, D_C)),
            rep((1, D_C)),
        ],
        out_specs=rep((N_GRAPHS_C, D_C)),
        out_shape=jax.ShapeDtypeStruct((N_GRAPHS_C, D_C), jnp.float32),
    )(sums, cnt_parts, u, W1[:D_C], W1[D_C:], b1.reshape(1, D_C), W2,
      b2.reshape(1, D_C))
    return out

# --- scband reference (transcript-rebuilt; emitter-appended) ---
"""Pipeline reference for scband-gnavg-61426622267401 (READ-ONLY COPY).

The authoritative reference and input builder live on the scoring server;
editing this copy changes nothing except your own understanding.
"""

import jax, jax.numpy as jnp
import numpy as np

N_NODES = 100000
N_GRAPHS = 256
D = 128

def setup_inputs(seed: int = 0) -> dict:
    key = jax.random.key(seed)
    k1, k2, k3, k4, k5 = jax.random.split(key, 5)
    x = jax.random.normal(k1, (N_NODES, D), dtype=jnp.float32)
    u = jax.random.normal(k2, (N_GRAPHS, D), dtype=jnp.float32)
    graph_ids = jnp.sort(jax.random.randint(k3, (N_NODES,), 0, N_GRAPHS, dtype=jnp.int64))
    W1 = jax.random.normal(k4, (2 * D, D), dtype=jnp.float32) * (1.0 / np.sqrt(2 * D))
    b1 = jnp.zeros((D,), dtype=jnp.float32)
    W2 = jax.random.normal(k5, (D, D), dtype=jnp.float32) * (1.0 / np.sqrt(D))
    b2 = jnp.zeros((D,), dtype=jnp.float32)
    return {"x": x, "u": u, "graph_ids": graph_ids, "W1": W1, "b1": b1, "W2": W2, "b2": b2}

def reference(x, u, graph_ids, W1, b1, W2, b2):
    # dec1: GNBlock(phi_u=NodeAggregationGlobalStateUpdate, rho_vu=AvgAggregation)
    #   rho_vu: average-aggregate node features per graph into a global node summary
    sums = jax.ops.segment_sum(x, graph_ids, num_segments=N_GRAPHS)
    counts = jax.ops.segment_sum(jnp.ones((x.shape[0], 1), dtype=x.dtype), graph_ids, num_segments=N_GRAPHS)
    node_mean = sums / jnp.maximum(counts, 1.0)
    #   phi_u: update global state from (aggregated node features, current global attr)
    u1 = jax.nn.relu(jnp.concatenate([node_mean, u], axis=-1) @ W1 + b1)
    # dec2: GNBlock(phi_u=DecoderGlobalStateUpdate) -> decode global state, return attr.val
    out = u1 @ W2 + b2
    return out

if __name__ == "__main__":
    import jax
    _d = setup_inputs()
    print(jax.jit(kernel)(*tuple(_d.values())))

</pallas_src>

<mosaic_0001>
#map = affine_map<(d0, d1) -> (0)>
#map1 = affine_map<(d0, d1) -> (0, 0)>
module attributes {stable_mosaic.version = 14 : i64} {
  func.func @_sc_counts(%arg0: i32, %arg1: i32, %arg2: memref<100352xi32, #tpu.memory_space<hbm>>, %arg3: memref<32x256xf32, #tpu.memory_space<hbm>>, %arg4: memref<3136xi32, #tpu.memory_space<vmem>>, %arg5: memref<16x256xf32, #tpu.memory_space<vmem>>, %arg6: memref<256xf32, #tpu.memory_space<vmem>>) attributes {dimension_semantics = [#tpu.dimension_semantics<core_parallel>, #tpu.dimension_semantics<subcore_parallel>], iteration_bounds = array<i64: 2, 16>, scalar_prefetch = 0 : i64, scratch_operands = 3 : i64, tpu.core_type = #tpu.core_type<sc_vector_subcore>, window_params = [{transform_indices = #map}, {transform_indices = #map1}]} {
    %mul3A = arith.constant 2 : i32
    %mul3A_0 = arith.muli %arg1, %mul3A : i32
    %add3A = arith.addi %mul3A_0, %arg0 : i32
    %mul3A_1 = arith.constant 3136 : i32
    %mul3A_2 = arith.muli %add3A, %mul3A_1 : i32
    "tpu.region"() ({
      %run_scoped3A = tpu.sem_alloc : memref<!tpu.dma_semaphore, #tpu.memory_space<semaphore_mem>>
      %dma_start3A = tpu.memref_slice %arg2[%mul3A_2] : memref<100352xi32, #tpu.memory_space<hbm>> -> memref<3136xi32, #tpu.memory_space<hbm>>
      %dma_start3A_20 = tpu.memref_slice %arg2[%mul3A_2] : memref<100352xi32, #tpu.memory_space<hbm>> -> memref<3136xi32, #tpu.memory_space<hbm>>
      tpu.enqueue_dma source(%dma_start3A_20 : memref<3136xi32, #tpu.memory_space<hbm>>) target(%arg4 : memref<3136xi32, #tpu.memory_space<vmem>>) target_semaphore(%run_scoped3A : memref<!tpu.dma_semaphore, #tpu.memory_space<semaphore_mem>>)
      %dma_wait3A = tpu.memref_slice %arg2[%mul3A_2] : memref<100352xi32, #tpu.memory_space<hbm>> -> memref<3136xi32, #tpu.memory_space<hbm>>
      %dma_wait3A_21 = tpu.memref_slice %arg2[%mul3A_2] : memref<100352xi32, #tpu.memory_space<hbm>> -> memref<3136xi32, #tpu.memory_space<hbm>>
      tpu.wait_dma2 semaphore(%run_scoped3A : memref<!tpu.dma_semaphore, #tpu.memory_space<semaphore_mem>>) src(%dma_wait3A_21 : memref<3136xi32, #tpu.memory_space<hbm>>) dst(%arg4 : memref<3136xi32, #tpu.memory_space<vmem>>)
      tpu.yield
    }) : () -> ()
    %broadcast_in_dim3A = arith.constant 0.000000e+00 : f32
    %broadcast_in_dim3A_3 = vector.broadcast %broadcast_in_dim3A : f32 to vector<16xf32>
    %scan3A = arith.constant 0 : i32
    %scan3A_4 = arith.constant 16 : i32
    %scan3A_5 = arith.addi %scan3A, %scan3A_4 : i32
    %scan3A_6 = arith.constant 1 : i32
    scf.for %scan3A_20 = %scan3A to %scan3A_5 step %scan3A_6  : i32 {
      %mul3A_21 = arith.constant 16 : i32
      %mul3A_22 = arith.muli %scan3A_20, %mul3A_21 : i32
      %add3A_23 = arith.constant 0 : i32
      %add3A_24 = arith.addi %add3A_23, %mul3A_22 : i32
      %swap3A = arith.constant 0 : i32
      %swap3A_25 = arith.index_cast %swap3A : i32 to index
      %swap3A_26 = arith.index_cast %add3A_24 : i32 to index
      %swap3A_27 = tpu.vector_load %arg5[%swap3A_25, %swap3A_26] {strides = array<i32>} : memref<16x256xf32, #tpu.memory_space<vmem>>, vector<16xf32>,
      tpu.vector_store %arg5[%swap3A_25, %swap3A_26], %broadcast_in_dim3A_3 {strides = array<i32>} : memref<16x256xf32, #tpu.memory_space<vmem>>, vector<16xf32>,
      %swap3A_28 = arith.constant 1 : i32
      %swap3A_29 = arith.index_cast %swap3A_28 : i32 to index
      %swap3A_30 = arith.index_cast %add3A_24 : i32 to index
      %swap3A_31 = tpu.vector_load %arg5[%swap3A_29, %swap3A_30] {strides = array<i32>} : memref<16x256xf32, #tpu.memory_space<vmem>>, vector<16xf32>,
      tpu.vector_store %arg5[%swap3A_29, %swap3A_30], %broadcast_in_dim3A_3 {strides = array<i32>} : memref<16x256xf32, #tpu.memory_space<vmem>>, vector<16xf32>,
      %swap3A_32 = arith.constant 2 : i32
      %swap3A_33 = arith.index_cast %swap3A_32 : i32 to index
      %swap3A_34 = arith.index_cast %add3A_24 : i32 to index
      %swap3A_35 = tpu.vector_load %arg5[%swap3A_33, %swap3A_34] {strides = array<i32>} : memref<16x256xf32, #tpu.memory_space<vmem>>, vector<16xf32>,
      tpu.vector_store %arg5[%swap3A_33, %swap3A_34], %broadcast_in_dim3A_3 {strides = array<i32>} : memref<16x256xf32, #tpu.memory_space<vmem>>, vector<16xf32>,
      %swap3A_36 = arith.constant 3 : i32
      %swap3A_37 = arith.index_cast %swap3A_36 : i32 to index
      %swap3A_38 = arith.index_cast %add3A_24 : i32 to index
      %swap3A_39 = tpu.vector_load %arg5[%swap3A_37, %swap3A_38] {strides = array<i32>} : memref<16x256xf32, #tpu.memory_space<vmem>>, vector<16xf32>,
      tpu.vector_store %arg5[%swap3A_37, %swap3A_38], %broadcast_in_dim3A_3 {strides = array<i32>} : memref<16x256xf32, #tpu.memory_space<vmem>>, vector<16xf32>,
      %swap3A_40 = arith.constant 4 : i32
      %swap3A_41 = arith.index_cast %swap3A_40 : i32 to index
      %swap3A_42 = arith.index_cast %add3A_24 : i32 to index
      %swap3A_43 = tpu.vector_load %arg5[%swap3A_41, %swap3A_42] {strides = array<i32>} : memref<16x256xf32, #tpu.memory_space<vmem>>, vector<16xf32>,
      tpu.vector_store %arg5[%swap3A_41, %swap3A_42], %broadcast_in_dim3A_3 {strides = array<i32>} : memref<16x256xf32, #tpu.memory_space<vmem>>, vector<16xf32>,
      %swap3A_44 = arith.constant 5 : i32
      %swap3A_45 = arith.index_cast %swap3A_44 : i32 to index
      %swap3A_46 = arith.index_cast %add3A_24 : i32 to index
      %swap3A_47 = tpu.vector_load %arg5[%swap3A_45, %swap3A_46] {strides = array<i32>} : memref<16x256xf32, #tpu.memory_space<vmem>>, vector<16xf32>,
      tpu.vector_store %arg5[%swap3A_45, %swap3A_46], %broadcast_in_dim3A_3 {strides = array<i32>} : memref<16x256xf32, #tpu.memory_space<vmem>>, vector<16xf32>,
      %swap3A_48 = arith.constant 6 : i32
      %swap3A_49 = arith.index_cast %swap3A_48 : i32 to index
      %swap3A_50 = arith.index_cast %add3A_24 : i32 to index
      %swap3A_51 = tpu.vector_load %arg5[%swap3A_49, %swap3A_50] {strides = array<i32>} : memref<16x256xf32, #tpu.memory_space<vmem>>, vector<16xf32>,
      tpu.vector_store %arg5[%swap3A_49, %swap3A_50], %broadcast_in_dim3A_3 {strides = array<i32>} : memref<16x256xf32, #tpu.memory_space<vmem>>, vector<16xf32>,
      %swap3A_52 = arith.constant 7 : i32
      %swap3A_53 = arith.index_cast %swap3A_52 : i32 to index
      %swap3A_54 = arith.index_cast %add3A_24 : i32 to index
      %swap3A_55 = tpu.vector_load %arg5[%swap3A_53, %swap3A_54] {strides = array<i32>} : memref<16x256xf32, #tpu.memory_space<vmem>>, vector<16xf32>,
      tpu.vector_store %arg5[%swap3A_53, %swap3A_54], %broadcast_in_dim3A_3 {strides = array<i32>} : memref<16x256xf32, #tpu.memory_space<vmem>>, vector<16xf32>,
      %swap3A_56 = arith.constant 8 : i32
      %swap3A_57 = arith.index_cast %swap3A_56 : i32 to index
      %swap3A_58 = arith.index_cast %add3A_24 : i32 to index
      %swap3A_59 = tpu.vector_load %arg5[%swap3A_57, %swap3A_58] {strides = array<i32>} : memref<16x256xf32, #tpu.memory_space<vmem>>, vector<16xf32>,
      tpu.vector_store %arg5[%swap3A_57, %swap3A_58], %broadcast_in_dim3A_3 {strides = array<i32>} : memref<16x256xf32, #tpu.memory_space<vmem>>, vector<16xf32>,
      %swap3A_60 = arith.constant 9 : i32
      %swap3A_61 = arith.index_cast %swap3A_60 : i32 to index
      %swap3A_62 = arith.index_cast %add3A_24 : i32 to index
      %swap3A_63 = tpu.vector_load %arg5[%swap3A_61, %swap3A_62] {strides = array<i32>} : memref<16x256xf32, #tpu.memory_space<vmem>>, vector<16xf32>,
      tpu.vector_store %arg5[%swap3A_61, %swap3A_62], %broadcast_in_dim3A_3 {strides = array<i32>} : memref<16x256xf32, #tpu.memory_space<vmem>>, vector<16xf32>,
      %swap3A_64 = arith.constant 10 : i32
      %swap3A_65 = arith.index_cast %swap3A_64 : i32 to index
      %swap3A_66 = arith.index_cast %add3A_24 : i32 to index
      %swap3A_67 = tpu.vector_load %arg5[%swap3A_65, %swap3A_66] {strides = array<i32>} : memref<16x256xf32, #tpu.memory_space<vmem>>, vector<16xf32>,
      tpu.vector_store %arg5[%swap3A_65, %swap3A_66], %broadcast_in_dim3A_3 {strides = array<i32>} : memref<16x256xf32, #tpu.memory_space<vmem>>, vector<16xf32>,
      %swap3A_68 = arith.constant 11 : i32
      %swap3A_69 = arith.index_cast %swap3A_68 : i32 to index
      %swap3A_70 = arith.index_cast %add3A_24 : i32 to index
      %swap3A_71 = tpu.vector_load %arg5[%swap3A_69, %swap3A_70] {strides = array<i32>} : memref<16x256xf32, #tpu.memory_space<vmem>>, vector<16xf32>,
      tpu.vector_store %arg5[%swap3A_69, %swap3A_70], %broadcast_in_dim3A_3 {strides = array<i32>} : memref<16x256xf32, #tpu.memory_space<vmem>>, vector<16xf32>,
      %swap3A_72 = arith.constant 12 : i32
      %swap3A_73 = arith.index_cast %swap3A_72 : i32 to index
      %swap3A_74 = arith.index_cast %add3A_24 : i32 to index
      %swap3A_75 = tpu.vector_load %arg5[%swap3A_73, %swap3A_74] {strides = array<i32>} : memref<16x256xf32, #tpu.memory_space<vmem>>, vector<16xf32>,
      tpu.vector_store %arg5[%swap3A_73, %swap3A_74], %broadcast_in_dim3A_3 {strides = array<i32>} : memref<16x256xf32, #tpu.memory_space<vmem>>, vector<16xf32>,
      %swap3A_76 = arith.constant 13 : i32
      %swap3A_77 = arith.index_cast %swap3A_76 : i32 to index
      %swap3A_78 = arith.index_cast %add3A_24 : i32 to index
      %swap3A_79 = tpu.vector_load %arg5[%swap3A_77, %swap3A_78] {strides = array<i32>} : memref<16x256xf32, #tpu.memory_space<vmem>>, vector<16xf32>,
      tpu.vector_store %arg5[%swap3A_77, %swap3A_78], %broadcast_in_dim3A_3 {strides = array<i32>} : memref<16x256xf32, #tpu.memory_space<vmem>>, vector<16xf32>,
      %swap3A_80 = arith.constant 14 : i32
      %swap3A_81 = arith.index_cast %swap3A_80 : i32 to index
      %swap3A_82 = arith.index_cast %add3A_24 : i32 to index
      %swap3A_83 = tpu.vector_load %arg5[%swap3A_81, %swap3A_82] {strides = array<i32>} : memref<16x256xf32, #tpu.memory_space<vmem>>, vector<16xf32>,
      tpu.vector_store %arg5[%swap3A_81, %swap3A_82], %broadcast_in_dim3A_3 {strides = array<i32>} : memref<16x256xf32, #tpu.memory_space<vmem>>, vector<16xf32>,
      %swap3A_84 = arith.constant 15 : i32
      %swap3A_85 = arith.index_cast %swap3A_84 : i32 to index
      %swap3A_86 = arith.index_cast %add3A_24 : i32 to index
      %swap3A_87 = tpu.vector_load %arg5[%swap3A_85, %swap3A_86] {strides = array<i32>} : memref<16x256xf32, #tpu.memory_space<vmem>>, vector<16xf32>,
      tpu.vector_store %arg5[%swap3A_85, %swap3A_86], %broadcast_in_dim3A_3 {strides = array<i32>} : memref<16x256xf32, #tpu.memory_space<vmem>>, vector<16xf32>,
    }
    %scan3A_7 = arith.constant 16 : i32
    %broadcast_in_dim3A_8 = arith.constant 1.000000e+00 : f32
    %broadcast_in_dim3A_9 = vector.broadcast %broadcast_in_dim3A_8 : f32 to vector<16xf32>
    %iota3A = tpu.iota {dimensions = array<i32: 0>} : vector<16xi32>
    %scan3A_10 = arith.constant 0 : i32
    %scan3A_11 = arith.constant 196 : i32
    %scan3A_12 = arith.addi %scan3A_10, %scan3A_11 : i32
    %scan3A_13 = arith.constant 1 : i32
    scf.for %scan3A_20 = %scan3A_10 to %scan3A_12 step %scan3A_13  : i32 {
      %mul3A_21 = arith.constant 16 : i32
      %mul3A_22 = arith.muli %scan3A_20, %mul3A_21 : i32
      %add3A_23 = arith.constant 0 : i32
      %add3A_24 = arith.addi %add3A_23, %mul3A_22 : i32
      %get3A = arith.index_cast %add3A_24 : i32 to index
      %get3A_25 = tpu.vector_load %arg4[%get3A] {strides = array<i32>} : memref<3136xi32, #tpu.memory_space<vmem>>, vector<16xi32>,
      tpu.vector_store_idx %arg5[%iota3A, %get3A_25], %broadcast_in_dim3A_9 {add = true} : memref<16x256xf32, #tpu.memory_space<vmem>>[vector<16xi32>, vector<16xi32>], vector<16xf32>,
    }
    %scan3A_14 = arith.constant 196 : i32
    %scan3A_15 = arith.constant 0 : i32
    %scan3A_16 = arith.constant 16 : i32
    %scan3A_17 = arith.addi %scan3A_15, %scan3A_16 : i32
    %scan3A_18 = arith.constant 1 : i32
    scf.for %scan3A_20 = %scan3A_15 to %scan3A_17 step %scan3A_18  : i32 {
      %mul3A_21 = arith.constant 16 : i32
      %mul3A_22 = arith.muli %scan3A_20, %mul3A_21 : i32
      %add3A_23 = arith.constant 0 : i32
      %add3A_24 = arith.addi %add3A_23, %mul3A_22 : i32
      %get3A = arith.constant 0 : i32
      %get3A_25 = arith.index_cast %get3A : i32 to index
      %get3A_26 = arith.index_cast %add3A_24 : i32 to index
      %get3A_27 = tpu.vector_load %arg5[%get3A_25, %get3A_26] {strides = array<i32>} : memref<16x256xf32, #tpu.memory_space<vmem>>, vector<16xf32>,
      %get3A_28 = arith.constant 1 : i32
      %get3A_29 = arith.index_cast %get3A_28 : i32 to index
      %get3A_30 = arith.index_cast %add3A_24 : i32 to index
      %get3A_31 = tpu.vector_load %arg5[%get3A_29, %get3A_30] {strides = array<i32>} : memref<16x256xf32, #tpu.memory_space<vmem>>, vector<16xf32>,
      %add3A_32 = arith.addf %get3A_27, %get3A_31 : vector<16xf32>
      %get3A_33 = arith.constant 2 : i32
      %get3A_34 = arith.index_cast %get3A_33 : i32 to index
      %get3A_35 = arith.index_cast %add3A_24 : i32 to index
      %get3A_36 = tpu.vector_load %arg5[%get3A_34, %get3A_35] {strides = array<i32>} : memref<16x256xf32, #tpu.memory_space<vmem>>, vector<16xf32>,
      %add3A_37 = arith.addf %add3A_32, %get3A_36 : vector<16xf32>
      %get3A_38 = arith.constant 3 : i32
      %get3A_39 = arith.index_cast %get3A_38 : i32 to index
      %get3A_40 = arith.index_cast %add3A_24 : i32 to index
      %get3A_41 = tpu.vector_load %arg5[%get3A_39, %get3A_40] {strides = array<i32>} : memref<16x256xf32, #tpu.memory_space<vmem>>, vector<16xf32>,
      %add3A_42 = arith.addf %add3A_37, %get3A_41 : vector<16xf32>
      %get3A_43 = arith.constant 4 : i32
      %get3A_44 = arith.index_cast %get3A_43 : i32 to index
      %get3A_45 = arith.index_cast %add3A_24 : i32 to index
      %get3A_46 = tpu.vector_load %arg5[%get3A_44, %get3A_45] {strides = array<i32>} : memref<16x256xf32, #tpu.memory_space<vmem>>, vector<16xf32>,
      %add3A_47 = arith.addf %add3A_42, %get3A_46 : vector<16xf32>
      %get3A_48 = arith.constant 5 : i32
      %get3A_49 = arith.index_cast %get3A_48 : i32 to index
      %get3A_50 = arith.index_cast %add3A_24 : i32 to index
      %get3A_51 = tpu.vector_load %arg5[%get3A_49, %get3A_50] {strides = array<i32>} : memref<16x256xf32, #tpu.memory_space<vmem>>, vector<16xf32>,
      %add3A_52 = arith.addf %add3A_47, %get3A_51 : vector<16xf32>
      %get3A_53 = arith.constant 6 : i32
      %get3A_54 = arith.index_cast %get3A_53 : i32 to index
      %get3A_55 = arith.index_cast %add3A_24 : i32 to index
      %get3A_56 = tpu.vector_load %arg5[%get3A_54, %get3A_55] {strides = array<i32>} : memref<16x256xf32, #tpu.memory_space<vmem>>, vector<16xf32>,
      %add3A_57 = arith.addf %add3A_52, %get3A_56 : vector<16xf32>
      %get3A_58 = arith.constant 7 : i32
      %get3A_59 = arith.index_cast %get3A_58 : i32 to index
      %get3A_60 = arith.index_cast %add3A_24 : i32 to index
      %get3A_61 = tpu.vector_load %arg5[%get3A_59, %get3A_60] {strides = array<i32>} : memref<16x256xf32, #tpu.memory_space<vmem>>, vector<16xf32>,
      %add3A_62 = arith.addf %add3A_57, %get3A_61 : vector<16xf32>
      %get3A_63 = arith.constant 8 : i32
      %get3A_64 = arith.index_cast %get3A_63 : i32 to index
      %get3A_65 = arith.index_cast %add3A_24 : i32 to index
      %get3A_66 = tpu.vector_load %arg5[%get3A_64, %get3A_65] {strides = array<i32>} : memref<16x256xf32, #tpu.memory_space<vmem>>, vector<16xf32>,
      %add3A_67 = arith.addf %add3A_62, %get3A_66 : vector<16xf32>
      %get3A_68 = arith.constant 9 : i32
      %get3A_69 = arith.index_cast %get3A_68 : i32 to index
      %get3A_70 = arith.index_cast %add3A_24 : i32 to index
      %get3A_71 = tpu.vector_load %arg5[%get3A_69, %get3A_70] {strides = array<i32>} : memref<16x256xf32, #tpu.memory_space<vmem>>, vector<16xf32>,
      %add3A_72 = arith.addf %add3A_67, %get3A_71 : vector<16xf32>
      %get3A_73 = arith.constant 10 : i32
      %get3A_74 = arith.index_cast %get3A_73 : i32 to index
      %get3A_75 = arith.index_cast %add3A_24 : i32 to index
      %get3A_76 = tpu.vector_load %arg5[%get3A_74, %get3A_75] {strides = array<i32>} : memref<16x256xf32, #tpu.memory_space<vmem>>, vector<16xf32>,
      %add3A_77 = arith.addf %add3A_72, %get3A_76 : vector<16xf32>
      %get3A_78 = arith.constant 11 : i32
      %get3A_79 = arith.index_cast %get3A_78 : i32 to index
      %get3A_80 = arith.index_cast %add3A_24 : i32 to index
      %get3A_81 = tpu.vector_load %arg5[%get3A_79, %get3A_80] {strides = array<i32>} : memref<16x256xf32, #tpu.memory_space<vmem>>, vector<16xf32>,
      %add3A_82 = arith.addf %add3A_77, %get3A_81 : vector<16xf32>
      %get3A_83 = arith.constant 12 : i32
      %get3A_84 = arith.index_cast %get3A_83 : i32 to index
      %get3A_85 = arith.index_cast %add3A_24 : i32 to index
      %get3A_86 = tpu.vector_load %arg5[%get3A_84, %get3A_85] {strides = array<i32>} : memref<16x256xf32, #tpu.memory_space<vmem>>, vector<16xf32>,
      %add3A_87 = arith.addf %add3A_82, %get3A_86 : vector<16xf32>
      %get3A_88 = arith.constant 13 : i32
      %get3A_89 = arith.index_cast %get3A_88 : i32 to index
      %get3A_90 = arith.index_cast %add3A_24 : i32 to index
      %get3A_91 = tpu.vector_load %arg5[%get3A_89, %get3A_90] {strides = array<i32>} : memref<16x256xf32, #tpu.memory_space<vmem>>, vector<16xf32>,
      %add3A_92 = arith.addf %add3A_87, %get3A_91 : vector<16xf32>
      %get3A_93 = arith.constant 14 : i32
      %get3A_94 = arith.index_cast %get3A_93 : i32 to index
      %get3A_95 = arith.index_cast %add3A_24 : i32 to index
      %get3A_96 = tpu.vector_load %arg5[%get3A_94, %get3A_95] {strides = array<i32>} : memref<16x256xf32, #tpu.memory_space<vmem>>, vector<16xf32>,
      %add3A_97 = arith.addf %add3A_92, %get3A_96 : vector<16xf32>
      %get3A_98 = arith.constant 15 : i32
      %get3A_99 = arith.index_cast %get3A_98 : i32 to index
      %get3A_100 = arith.index_cast %add3A_24 : i32 to index
      %get3A_101 = tpu.vector_load %arg5[%get3A_99, %get3A_100] {strides = array<i32>} : memref<16x256xf32, #tpu.memory_space<vmem>>, vector<16xf32>,
      %add3A_102 = arith.addf %add3A_97, %get3A_101 : vector<16xf32>
      %swap3A = arith.index_cast %add3A_24 : i32 to index
      %swap3A_103 = tpu.vector_load %arg6[%swap3A] {strides = array<i32>} : memref<256xf32, #tpu.memory_space<vmem>>, vector<16xf32>,
      tpu.vector_store %arg6[%swap3A], %add3A_102 {strides = array<i32>} : memref<256xf32, #tpu.memory_space<vmem>>, vector<16xf32>,
    }
    %scan3A_19 = arith.constant 16 : i32
    "tpu.region"() ({
      %run_scoped3A = tpu.sem_alloc : memref<!tpu.dma_semaphore, #tpu.memory_space<semaphore_mem>>
      %dma_start3A = arith.constant 0 : i32
      %dma_start3A_20 = tpu.memref_slice %arg3[%add3A, %dma_start3A] : memref<32x256xf32, #tpu.memory_space<hbm>> -> memref<1x256xf32, #tpu.memory_space<hbm>>
      %dma_start3A_21 = tpu.memref_squeeze %dma_start3A_20 : memref<1x256xf32, #tpu.memory_space<hbm>> -> memref<256xf32, #tpu.memory_space<hbm>>
      %dma_start3A_22 = arith.constant 0 : i32
      %dma_start3A_23 = tpu.memref_slice %arg3[%add3A, %dma_start3A_22] : memref<32x256xf32, #tpu.memory_space<hbm>> -> memref<1x256xf32, #tpu.memory_space<hbm>>
      %dma_start3A_24 = tpu.memref_squeeze %dma_start3A_23 : memref<1x256xf32, #tpu.memory_space<hbm>> -> memref<256xf32, #tpu.memory_space<hbm>>
      tpu.enqueue_dma source(%arg6 : memref<256xf32, #tpu.memory_space<vmem>>) target(%dma_start3A_24 : memref<256xf32, #tpu.memory_space<hbm>>) target_semaphore(%run_scoped3A : memref<!tpu.dma_semaphore, #tpu.memory_space<semaphore_mem>>)
      %dma_wait3A = arith.constant 0 : i32
      %dma_wait3A_25 = tpu.memref_slice %arg3[%add3A, %dma_wait3A] : memref<32x256xf32, #tpu.memory_space<hbm>> -> memref<1x256xf32, #tpu.memory_space<hbm>>
      %dma_wait3A_26 = tpu.memref_squeeze %dma_wait3A_25 : memref<1x256xf32, #tpu.memory_space<hbm>> -> memref<256xf32, #tpu.memory_space<hbm>>
      %dma_wait3A_27 = arith.constant 0 : i32
      %dma_wait3A_28 = tpu.memref_slice %arg3[%add3A, %dma_wait3A_27] : memref<32x256xf32, #tpu.memory_space<hbm>> -> memref<1x256xf32, #tpu.memory_space<hbm>>
      %dma_wait3A_29 = tpu.memref_squeeze %dma_wait3A_28 : memref<1x256xf32, #tpu.memory_space<hbm>> -> memref<256xf32, #tpu.memory_space<hbm>>
      tpu.wait_dma2 semaphore(%run_scoped3A : memref<!tpu.dma_semaphore, #tpu.memory_space<semaphore_mem>>) src(%arg6 : memref<256xf32, #tpu.memory_space<vmem>>) dst(%dma_wait3A_29 : memref<256xf32, #tpu.memory_space<hbm>>)
      tpu.yield
    }) : () -> ()
    return
  }
}

module attributes {stable_mosaic.version = 14 : i64} {
  func.func @_tc_sums_kernel(%arg0: i32, %arg1: memref<1x1x10000xi32, #tpu.memory_space<vmem>>, %arg2: memref<10000x128xf32, #tpu.memory_space<vmem>>, %arg3: memref<256x128xf32, #tpu.memory_space<vmem>>) attributes {dimension_semantics = [#tpu.dimension_semantics<arbitrary>], iteration_bounds = array<i64: 10>, scalar_prefetch = 0 : i64, scratch_operands = 0 : i64, tpu.core_type = #tpu.core_type<tc>, window_params = [{transform_indices = @transform_0, window_bounds = array<i64: 1, 1, 10000>}, {transform_indices = @transform_1, window_bounds = array<i64: 10000, 128>}, {pipeline_mode = #tpu.pipeline_mode<synchronous>, transform_indices = @transform_2, window_bounds = array<i64: 256, 128>}]} {
    %eq3A = arith.constant 0 : i32
    %eq3A_0 = arith.cmpi eq, %arg0, %eq3A : i32
    %convert_element_type3A = arith.extui %eq3A_0 : i1 to i32
    %cond3A = arith.constant 0 : i32
    %cond3A_1 = arith.cmpi ne, %convert_element_type3A, %cond3A : i32
    scf.if %cond3A_1 {
      %broadcast_in_dim3A_21 = arith.constant 0.000000e+00 : f32
      %broadcast_in_dim3A_22 = vector.broadcast %broadcast_in_dim3A_21 : f32 to vector<256x128xf32>
      %swap3A_23 = arith.constant 0 : index
      %swap3A_24 = arith.constant 0 : index
      %swap3A_25 = vector.load %arg3[%swap3A_23, %swap3A_24] : memref<256x128xf32, #tpu.memory_space<vmem>>, vector<256x128xf32>
      tpu.vector_store %arg3[%swap3A_23, %swap3A_24], %broadcast_in_dim3A_22 {strides = array<i32>} : memref<256x128xf32, #tpu.memory_space<vmem>>, vector<256x128xf32>,
    } else {
    }
    %get3A = arith.constant 0 : index
    %get3A_2 = arith.constant 0 : index
    %get3A_3 = arith.constant 0 : index
    %get3A_4 = vector.load %arg1[%get3A, %get3A_2, %get3A_3] : memref<1x1x10000xi32, #tpu.memory_space<vmem>>, vector<1x1x10000xi32>
    %get3A_5 = vector.shape_cast %get3A_4 : vector<1x1x10000xi32> to vector<1x10000xi32>
    %convert_element_type3A_6 = arith.trunci %get3A_5 : vector<1x10000xi32> to vector<1x10000xi16>
    %iota3A = tpu.iota {dimensions = array<i32: 0>} : vector<256x10000xi16>
    %eq3A_7 = vector.broadcast %convert_element_type3A_6 : vector<1x10000xi16> to vector<256x10000xi16>
    %eq3A_8 = arith.cmpi eq, %eq3A_7, %iota3A : vector<256x10000xi16>
    %jit3A = arith.constant 1.000000e+00 : bf16
    %jit3A_9 = arith.constant 0.000000e+00 : bf16
    %broadcast_in_dim3A = vector.broadcast %jit3A : bf16 to vector<256x10000xbf16>
    %broadcast_in_dim3A_10 = vector.broadcast %jit3A_9 : bf16 to vector<256x10000xbf16>
    %select_n3A = arith.select %eq3A_8, %broadcast_in_dim3A, %broadcast_in_dim3A_10 : vector<256x10000xi1>, vector<256x10000xbf16>
    %get3A_11 = arith.constant 0 : index
    %get3A_12 = arith.constant 0 : index
    %get3A_13 = vector.load %arg2[%get3A_11, %get3A_12] : memref<10000x128xf32, #tpu.memory_space<vmem>>, vector<10000x128xf32>
    %convert_element_type3A_14 = arith.truncf %get3A_13 : vector<10000x128xf32> to vector<10000x128xbf16>
    %get3A_15 = arith.constant 0 : index
    %get3A_16 = arith.constant 0 : index
    %get3A_17 = vector.load %arg3[%get3A_15, %get3A_16] : memref<256x128xf32, #tpu.memory_space<vmem>>, vector<256x128xf32>
    %dot_general3A = arith.constant dense<0.000000e+00> : vector<256x128xf32>
    %dot_general3A_18 = tpu.matmul %select_n3A, %convert_element_type3A_14, %dot_general3A {dimension_numbers = #tpu.dot_dimension_numbers<[1], [0], [0], [1], [0, 0, 1, 1], [], []>, transpose_lhs_hint = false} : vector<256x10000xbf16>, vector<10000x128xbf16>, vector<256x128xf32> -> vector<256x128xf32>
    %add3A = arith.addf %get3A_17, %dot_general3A_18 : vector<256x128xf32>
    %swap3A = arith.constant 0 : index
    %swap3A_19 = arith.constant 0 : index
    %swap3A_20 = vector.load %arg3[%swap3A, %swap3A_19] : memref<256x128xf32, #tpu.memory_space<vmem>>, vector<256x128xf32>
    tpu.vector_store %arg3[%swap3A, %swap3A_19], %add3A {strides = array<i32>} : memref<256x128xf32, #tpu.memory_space<vmem>>, vector<256x128xf32>,
    return
  }
  func.func @transform_0(%arg0: i32) -> (i32, i32, i32) {
    %c0_i32 = arith.constant 0 : i32
    %c0_i32_0 = arith.constant 0 : i32
    %c0_i32_1 = arith.constant 0 : i32
    return %arg0, %c0_i32, %c0_i32_0 : i32, i32, i32
  }
  func.func @transform_1(%arg0: i32) -> (i32, i32) {
    %c0_i32 = arith.constant 0 : i32
    %c0_i32_0 = arith.constant 0 : i32
    return %arg0, %c0_i32 : i32, i32
  }
  func.func @transform_2(%arg0: i32) -> (i32, i32) {
    %c0_i32 = arith.constant 0 : i32
    %c0_i32_0 = arith.constant 0 : i32
    %c0_i32_1 = arith.constant 0 : i32
    return %c0_i32, %c0_i32_0 : i32, i32
  }
}

module attributes {stable_mosaic.version = 14 : i64} {
  func.func @_tc_decode_kernel(%arg0: memref<256x128xf32, #tpu.memory_space<vmem>>, %arg1: memref<32x256xf32, #tpu.memory_space<vmem>>, %arg2: memref<256x128xf32, #tpu.memory_space<vmem>>, %arg3: memref<128x128xf32, #tpu.memory_space<vmem>>, %arg4: memref<128x128xf32, #tpu.memory_space<vmem>>, %arg5: memref<1x128xf32, #tpu.memory_space<vmem>>, %arg6: memref<128x128xf32, #tpu.memory_space<vmem>>, %arg7: memref<1x128xf32, #tpu.memory_space<vmem>>, %arg8: memref<256x128xf32, #tpu.memory_space<vmem>>) attributes {dimension_semantics = [], scalar_prefetch = 0 : i64, scratch_operands = 0 : i64, tpu.core_type = #tpu.core_type<tc>} {
    %get3A = arith.constant 0 : index
    %get3A_0 = arith.constant 0 : index
    %get3A_1 = vector.load %arg1[%get3A, %get3A_0] : memref<32x256xf32, #tpu.memory_space<vmem>>, vector<32x256xf32>
    %reduce_sum3A = arith.constant dense<0.000000e+00> : vector<256xf32>
    %reduce_sum3A_2 = vector.multi_reduction <add>, %get3A_1, %reduce_sum3A [0] : vector<32x256xf32> to vector<256xf32>
    %broadcast_in_dim3A = vector.shape_cast %reduce_sum3A_2 : vector<256xf32> to vector<1x256xf32>
    %iota3A = tpu.iota {dimensions = array<i32: 1>} : vector<1x256xi32>
    %eq3A = arith.constant 255 : i32
    %eq3A_3 = vector.broadcast %eq3A : i32 to vector<1x256xi32>
    %eq3A_4 = arith.cmpi eq, %iota3A, %eq3A_3 : vector<1x256xi32>
    %jit3A = arith.constant 3.520000e+02 : f32
    %jit3A_5 = arith.constant 0.000000e+00 : f32
    %broadcast_in_dim3A_6 = vector.broadcast %jit3A : f32 to vector<1x256xf32>
    %broadcast_in_dim3A_7 = vector.broadcast %jit3A_5 : f32 to vector<1x256xf32>
    %select_n3A = arith.select %eq3A_4, %broadcast_in_dim3A_6, %broadcast_in_dim3A_7 : vector<1x256xi1>, vector<1x256xf32>
    %sub3A = arith.subf %broadcast_in_dim3A, %select_n3A : vector<1x256xf32>
    %max3A = arith.constant 1.000000e+00 : f32
    %max3A_8 = vector.broadcast %max3A : f32 to vector<1x256xf32>
    %max3A_9 = arith.maximumf %sub3A, %max3A_8 : vector<1x256xf32>
    %div3A = arith.constant 1.000000e+00 : f32
    %div3A_10 = vector.broadcast %div3A : f32 to vector<1x256xf32>
    %div3A_11 = arith.divf %div3A_10, %max3A_9 : vector<1x256xf32>
    %iota3A_12 = tpu.iota {dimensions = array<i32: 0>} : vector<256x256xi16>
    %iota3A_13 = tpu.iota {dimensions = array<i32: 1>} : vector<256x256xi16>
    %eq3A_14 = arith.cmpi eq, %iota3A_12, %iota3A_13 : vector<256x256xi16>
    %jit3A_15 = arith.constant 1.000000e+00 : bf16
    %jit3A_16 = arith.constant 0.000000e+00 : bf16
    %broadcast_in_dim3A_17 = vector.broadcast %jit3A_15 : bf16 to vector<256x256xbf16>
    %broadcast_in_dim3A_18 = vector.broadcast %jit3A_16 : bf16 to vector<256x256xbf16>
    %select_n3A_19 = arith.select %eq3A_14, %broadcast_in_dim3A_17, %broadcast_in_dim3A_18 : vector<256x256xi1>, vector<256x256xbf16>
    %convert_element_type3A = arith.truncf %div3A_11 : vector<1x256xf32> to vector<1x256xbf16>
    %broadcast_in_dim3A_20 = vector.shape_cast %convert_element_type3A : vector<1x256xbf16> to vector<1x256xbf16>
    %broadcast_in_dim3A_21 = vector.broadcast %broadcast_in_dim3A_20 : vector<1x256xbf16> to vector<8x256xbf16>
    %dot_general3A = arith.constant dense<0.000000e+00> : vector<256x8xf32>
    %dot_general3A_22 = tpu.matmul %select_n3A_19, %broadcast_in_dim3A_21, %dot_general3A {dimension_numbers = #tpu.dot_dimension_numbers<[1], [1], [0], [0], [0, 0, 1, 0], [], []>, transpose_lhs_hint = false} : vector<256x256xbf16>, vector<8x256xbf16>, vector<256x8xf32> -> vector<256x8xf32>
    %get3A_23 = arith.constant 0 : index
    %get3A_24 = arith.constant 0 : index
    %get3A_25 = vector.load %arg0[%get3A_23, %get3A_24] : memref<256x128xf32, #tpu.memory_space<vmem>>, vector<256x128xf32>
    %slice3A = vector.extract_strided_slice %dot_general3A_22 {offsets = [0, 0], sizes = [256, 1], strides = [1, 1]} : vector<256x8xf32> to vector<256x1xf32>
    %mul3A = vector.broadcast %slice3A : vector<256x1xf32> to vector<256x128xf32>
    %mul3A_26 = arith.mulf %get3A_25, %mul3A : vector<256x128xf32>
    %get3A_27 = arith.constant 0 : index
    %get3A_28 = arith.constant 0 : index
    %get3A_29 = vector.load %arg3[%get3A_27, %get3A_28] : memref<128x128xf32, #tpu.memory_space<vmem>>, vector<128x128xf32>
    %dot_general3A_30 = arith.constant dense<0.000000e+00> : vector<256x128xf32>
    %dot_general3A_31 = tpu.matmul %mul3A_26, %get3A_29, %dot_general3A_30 {dimension_numbers = #tpu.dot_dimension_numbers<[1], [0], [0], [1], [0, 0, 1, 1], [], []>, transpose_lhs_hint = false} : vector<256x128xf32>, vector<128x128xf32>, vector<256x128xf32> -> vector<256x128xf32>
    %get3A_32 = arith.constant 0 : index
    %get3A_33 = arith.constant 0 : index
    %get3A_34 = vector.load %arg2[%get3A_32, %get3A_33] : memref<256x128xf32, #tpu.memory_space<vmem>>, vector<256x128xf32>
    %get3A_35 = arith.constant 0 : index
    %get3A_36 = arith.constant 0 : index
    %get3A_37 = vector.load %arg4[%get3A_35, %get3A_36] : memref<128x128xf32, #tpu.memory_space<vmem>>, vector<128x128xf32>
    %dot_general3A_38 = arith.constant dense<0.000000e+00> : vector<256x128xf32>
    %dot_general3A_39 = tpu.matmul %get3A_34, %get3A_37, %dot_general3A_38 {dimension_numbers = #tpu.dot_dimension_numbers<[1], [0], [0], [1], [0, 0, 1, 1], [], []>, transpose_lhs_hint = false} : vector<256x128xf32>, vector<128x128xf32>, vector<256x128xf32> -> vector<256x128xf32>
    %add3A = arith.addf %dot_general3A_31, %dot_general3A_39 : vector<256x128xf32>
    %get3A_40 = arith.constant 0 : index
    %get3A_41 = arith.constant 0 : index
    %get3A_42 = vector.load %arg5[%get3A_40, %get3A_41] : memref<1x128xf32, #tpu.memory_space<vmem>>, vector<1x128xf32>
    %add3A_43 = vector.broadcast %get3A_42 : vector<1x128xf32> to vector<256x128xf32>
    %add3A_44 = arith.addf %add3A, %add3A_43 : vector<256x128xf32>
    %max3A_45 = arith.constant 0.000000e+00 : f32
    %max3A_46 = vector.broadcast %max3A_45 : f32 to vector<256x128xf32>
    %max3A_47 = arith.maximumf %add3A_44, %max3A_46 : vector<256x128xf32>
    %get3A_48 = arith.constant 0 : index
    %get3A_49 = arith.constant 0 : index
    %get3A_50 = vector.load %arg6[%get3A_48, %get3A_49] : memref<128x128xf32, #tpu.memory_space<vmem>>, vector<128x128xf32>
    %dot_general3A_51 = arith.constant dense<0.000000e+00> : vector<256x128xf32>
    %dot_general3A_52 = tpu.matmul %max3A_47, %get3A_50, %dot_general3A_51 {dimension_numbers = #tpu.dot_dimension_numbers<[1], [0], [0], [1], [0, 0, 1, 1], [], []>, transpose_lhs_hint = false} : vector<256x128xf32>, vector<128x128xf32>, vector<256x128xf32> -> vector<256x128xf32>
    %get3A_53 = arith.constant 0 : index
    %get3A_54 = arith.constant 0 : index
    %get3A_55 = vector.load %arg7[%get3A_53, %get3A_54] : memref<1x128xf32, #tpu.memory_space<vmem>>, vector<1x128xf32>
    %add3A_56 = vector.broadcast %get3A_55 : vector<1x128xf32> to vector<256x128xf32>
    %add3A_57 = arith.addf %dot_general3A_52, %add3A_56 : vector<256x128xf32>
    %swap3A = arith.constant 0 : index
    %swap3A_58 = arith.constant 0 : index
    %swap3A_59 = vector.load %arg8[%swap3A, %swap3A_58] : memref<256x128xf32, #tpu.memory_space<vmem>>, vector<256x128xf32>
    tpu.vector_store %arg8[%swap3A, %swap3A_58], %add3A_57 {strides = array<i32>} : memref<256x128xf32, #tpu.memory_space<vmem>>, vector<256x128xf32>,
    return
  }
}

</mosaic_0001>

<sc_bundles>
// kernel: kernel.5.cloned.1.call-start
scs
__scs_entry_jumppad:
0x0: {  	(pc) =	sbr.rel $0x88, $3  }
0x1: {  	(tag) =	ssettag $0x0;
	lr =	simm.s32 $0x1  }
0x2: {  	[smem:$0x3F9A] =	sst lr;
	_ =	strace $0xD0000000  }
0x3: {  	_ = 	snop  }
0x4: {  	_ = 	snop  }
0x5: {  	_ = 	snop  }
0x6: {  	_ = 	snop  }
0x7: {  	_ = 	snop  }
__scs_overlays_trampoline_lowered:
0x8: {  	[smem:$0x3FA9] =	sst s0  }
0x9: {  	[smem:$0x3FAA] =	sst s1  }
0xa: {  	[smem:$0x3FAB] =	sst s2  }
0xb: {  	[smem:$0x3FAC] =	sst s3  }
0xc: {  	[smem:$0x3FAD] =	sst s4  }
0xd: {  	[smem:$0x3FAE] =	sst s5  }
0xe: {  	[smem:$0x3FAF] =	sst s6  }
0xf: {  	[smem:$0x3FB0] =	sst s7  }
0x10: {  	[smem:$0x3FB1] =	sst s8  }
0x11: {  	[smem:$0x3FB2] =	sst s9;
	s0 =	simm.s32 @!p0 $0x0  }
0x12: {  	s1 =	sld [smem:$0x3F98];
	s0 =	simm.s32 @p0 $0x1  }
0x13: {  	[smem:$0x3FB3] =	sst s0;
	s0 =	simm.s32 @!p1 $0x0  }
0x14: {  	s2 =	sld [smem:$0x3F97];
	s0 =	simm.s32 @p1 $0x1  }
0x15: {  	[smem:$0x3FB4] =	sst s0;
	s0 =	simm.s32 @!p2 $0x0  }
0x16: {  	s3 =	sld [smem:$0x3FDB];
	s0 =	simm.s32 @p2 $0x1  }
0x17: {  	s4 =	simm.s32 $0x1BF5;
	[smem:$0x3FB6] =	sst s0  }
0x18: {  	s0 =	sld [smem:$0x3F99];
	_ =	swait.ge [sflag:s4], $0x0  }
0x19: {  	s7 =	sld [smem:$0x3F9A]  }
0x1a: {  	s8 =	sadd.s32 $0xFFFFE003, lr  }
0x1b: {  	s9 =	sadd.s32 $0xFFFFFEF7, lr;
	s5 =	simm.s32 $0xFFFFFFFF;
	p2 =	slt.u32 s8, $0xFFFFF086  }
0x1c: {  	p1 =	slt.u32 s9, $0xF7A;
	s5 =	simm.s32 @!p2 $0x0  }
0x1d: {  	s5 =	simm.s32 @p1 $0x1;
	p0 =	seq.s32 s7, s2  }
0x1e: {  	s7 =	smul.u32 @!p0 $0xF7A, s2;
	p2 =	seq.s32 @!p0 s5, $0x0  }
0x1f: {  	s9 =	smul.u32 $0xF7A, s1;
	s8 =	simm.s32 @!p0 $0x1BF5;
	p2 =	por !p2, p0  }
0x20: {  	[sflag:s8] =	ssyncset.s32 @!p0 $0xFFFFF086;
	s6 =	sadd.s32 @!p0 s3, s7;
	s7 =	simm.s32 @!p0 $0x108  }
0x21: {  	s3 =	sadd.s32 s3, s9;
	s6 =	sadd.s32 @!p0 $0x88, s6;
	s7 =	simm.s32 @p2 $0x1082  }
0x22: {  	[simem:s7], [sflag:s8] =	dma.local @!p0 [hbm:s6], $0xF7A  }
0x23: {  	s9 =	sor.u32 $0xD0000000, s2;
	s6 =	simm.s32 $0x108;
	_ =	swait.ge @!p0 [sflag:s8], $0x0  }
0x24: {  	s3 =	sadd.s32 $0x88, s3;
	s6 =	simm.s32 @!p1 $0x1082;
	[sflag:s4] =	ssyncset.s32 $0xFFFFF086  }
0x25: {  	[simem:s6], [sflag:s4] =	dma.local [hbm:s3], $0xF7A  }
0x26: {  	[smem:$0x3F9A] =	sst s1;
	(tag) =	ssettag s2;
	_ =	strace s9  }
0x27: {  	s1 =	sld [smem:$0x3FAA]  }
0x28: {  	s2 =	sld [smem:$0x3FAB]  }
0x29: {  	s4 =	sld [smem:$0x3FAD]  }
0x2a: {  	p0 =	seq.s32 s5, $0x0;
	s5 =	sld [smem:$0x3FAE]  }
0x2b: {  	s6 =	sld [smem:$0x3FAF]  }
0x2c: {  	s7 =	sld [smem:$0x3FB0]  }
0x2d: {  	s3 =	simm.s32 $0x108;
	s8 =	sld [smem:$0x3FB1]  }
0x2e: {  	s3 =	simm.s32 @!p0 $0x1082;
	s9 =	sld [smem:$0x3FB2]  }
0x2f: {  	lr =	sadd.s32 s0, s3;
	s0 =	sld [smem:$0x3FA9]  }
0x30: {  	s3 =	sld [smem:$0x3FAC]  }
0x31: {  	[smem:$0x3FB5] =	sst s10  }
0x32: {  	s10 =	sld [smem:$0x3FB3];
	_ =	sdelay $0x3  }
0x33: {  	p0 =	seq.s32 s10, $0x1;
	s10 =	sld [smem:$0x3FB5];
	_ =	sdelay $0x3  }
0x34: {  	[smem:$0x3FB5] =	sst s10  }
0x35: {  	s10 =	sld [smem:$0x3FB4];
	_ =	sdelay $0x3  }
0x36: {  	p1 =	seq.s32 s10, $0x1;
	s10 =	sld [smem:$0x3FB5];
	_ =	sdelay $0x3  }
0x37: {  	[smem:$0x3FB5] =	sst s10  }
0x38: {  	s10 =	sld [smem:$0x3FB6]  }
0x39: {  	_ = 	snop;
	(pc) =	sbr.ind lr, $3  }
0x3a: {  	_ = 	snop  }
0x3b: {  	_ = 	snop  }
0x3c: {  	p2 =	seq.s32 s10, $0x1;
	s10 =	sld [smem:$0x3FB5]  }
0x3d: {  	_ =	shalt  }
0x3e: {  	_ =	shalt  }
0x3f: {  	_ =	shalt  }
0x40: {  	_ =	shalt  }
0x41: {  	_ =	shalt  }
0x42: {  	_ =	shalt  }
0x43: {  	_ =	shalt  }
0x44: {  	_ =	shalt  }
0x45: {  	_ =	shalt  }
0x46: {  	_ =	shalt  }
0x47: {  	_ =	shalt  }
0x48: {  	_ =	shalt  }
0x49: {  	_ =	shalt  }
0x4a: {  	_ =	shalt  }
0x4b: {  	_ =	shalt  }
0x4c: {  	_ =	shalt  }
0x4d: {  	_ =	shalt  }
0x4e: {  	_ =	shalt  }
0x4f: {  	_ =	shalt  }
0x50: {  	_ =	shalt  }
0x51: {  	_ =	shalt  }
0x52: {  	_ =	shalt  }
0x53: {  	_ =	shalt  }
0x54: {  	_ =	shalt  }
0x55: {  	_ =	shalt  }
0x56: {  	_ =	shalt  }
0x57: {  	_ =	shalt  }
0x58: {  	_ =	shalt  }
0x59: {  	_ =	shalt  }
0x5a: {  	_ =	shalt  }
0x5b: {  	_ =	shalt  }
0x5c: {  	_ =	shalt  }
0x5d: {  	_ =	shalt  }
0x5e: {  	_ =	shalt  }
0x5f: {  	_ =	shalt  }
0x60: {  	_ =	shalt  }
0x61: {  	_ =	shalt  }
0x62: {  	_ =	shalt  }
0x63: {  	_ =	shalt  }
0x64: {  	_ =	shalt  }
0x65: {  	_ =	shalt  }
0x66: {  	_ =	shalt  }
0x67: {  	_ =	shalt  }
0x68: {  	_ =	shalt  }
0x69: {  	_ =	shalt  }
0x6a: {  	_ =	shalt  }
0x6b: {  	_ =	shalt  }
0x6c: {  	_ =	shalt  }
0x6d: {  	_ =	shalt  }
0x6e: {  	_ =	shalt  }
0x6f: {  	_ =	shalt  }
0x70: {  	_ =	shalt  }
0x71: {  	_ =	shalt  }
0x72: {  	_ =	shalt  }
0x73: {  	_ =	shalt  }
0x74: {  	_ =	shalt  }
0x75: {  	_ =	shalt  }
0x76: {  	_ =	shalt  }
0x77: {  	_ =	shalt  }
0x78: {  	_ =	shalt  }
0x79: {  	_ =	shalt  }
0x7a: {  	_ =	shalt  }
0x7b: {  	_ =	shalt  }
0x7c: {  	_ =	shalt  }
0x7d: {  	_ =	shalt  }
0x7e: {  	_ =	shalt  }
0x7f: {  	_ =	shalt  }
0x80: {  	_ =	shalt  }
0x81: {  	_ =	shalt  }
0x82: {  	_ =	shalt  }
0x83: {  	_ =	shalt  }
0x84: {  	_ =	shalt  }
0x85: {  	_ =	shalt  }
0x86: {  	_ =	shalt  }
0x87: {  	_ =	shalt  }
.Lfunc_end0:
.L_simem_size_0:
called_computation_lowered:
.L_overlay_start_0:
0x88: {  	s2 =	sld [smem:$0x3FD9]  }
0x89: {  	s3 =	sld [smem:$0x3FFE];
	_ =	sdelay $0x1  }
0x8a: {  	s1 =	srdreg.scid  }
0x8b: {  	s0 =	sand.u32 $0x1, s1  }
0x8c: {  	s17 =	sshll.u32 s0, $0xA;
	s2 =	sadd.s32 s3, s2  }
0x8d: {  	s2 =	sadd.s32 s2, s17  }
0x8e: {  	[smem:$0x3FC1] =	sst s2  }
0x8f: {  	_ = 	snop  }
0x90: {  	s2 =	sld [smem:$0x3FD0];
	(tm) =	ssettm $0x1  }
0x91: {  	s18 =	sld [smem:$0x3FFB];
	_ =	sdelay $0x3  }
0x92: {  	_ =	strace s18  }
0x93: {  	s3 =	sld [smem:$0x3FFC];
	_ =	sdelay $0x3  }
0x94: {  	_ =	strace s3  }
0x95: {  	s3 =	sld [smem:$0x3FFD];
	_ =	sdelay $0x3  }
0x96: {  	_ =	strace s3  }
0x97: {  	_ =	strace $0x8FFFFFFF  }
0x98: {  	s19 =	sld [smem:$0x3FDB];
	_ =	sdelay $0x1  }
0x99: {  	s4 =	simm.s32 $_scs_section_size  }
0x9a: {  	s5 =	simm.s32 $_size__tile_overlayer_lowered;
	s6 =	simm.s32 $_tile_overlayer_lowered  }
0x9b: {  	s22 =	simm.s32 $0x1BFF;
	s21 =	sshll.u32 s6, $0x1;
	s3 =	sadd.s32 s4, s19  }
0x9c: {  	s7 =	simm.s32 $0x0;
	s20 =	sshll.u32 s5, $0x1;
	s5 =	sadd.s32 s21, s3  }
0x9d: {  	[timem:s7], [sflag:s22] =	dma.local [hbm:s5], s20  }
0x9e: {  	_ =	swait.ge [sflag:s22], s20  }
0x9f: {  	s4 =	ssub.s32 $0x0, s20;
	[sflag:s22] =	ssyncset.done $0x0  }
0xa0: {  	[sflag:s22] =	ssyncadd.s32 s4;
	_ =	sdelay $0x1  }
0xa1: {  	s23 =	simm.s32 $0x1B8B  }
0xa2: {  	_ =	swait.ge [sflag:s23], $0x1  }
0xa3: {  	[sflag:s23] =	ssyncset.done $0x0  }
0xa4: {  	s25 =	simm.s32 $0x1B8E;
	s24 =	sld [smem:$0x3FFE];
	[sflag:s23] =	ssyncadd.s32 $0xFFFFFFFF  }
0xa5: {  	s26 =	simm.s32 $execute0_lowered;
	[smem:$0x3FD2] =	sst s25  }
0xa6: {  	s5 =	sshll.u32 s26, $0x1;
	_ =	strace $0x80000046;
	[dreg:$0x1] =	wrdreg $0xFFFFFFFF  }
0xa7: {  	s28 =	simm.s32 $_size_execute0_lowered;
	s3 =	sadd.s32 s3, s5;
	[dreg:$0x0] =	wrdreg $0x0  }
0xa8: {  	s5 =	sshll.u32 s28, $0x1;
	[dreg:$0x2] =	wrdreg s3  }
0xa9: {  	[dreg:$0x3] =	wrdreg s5  }
0xaa: {  	[dreg:$0x4] =	wrdreg $0xC0  }
0xab: {  	_ =	task [dreg:s7], $0x5FFFF  }
0xac: {  	[dreg:$0x1] =	wrdreg $0xFFFFFFFF  }
0xad: {  	[dreg:$0x0] =	wrdreg $0x60  }
0xae: {  	[dreg:$0x2] =	wrdreg s24  }
0xaf: {  	[dreg:$0x3] =	wrdreg s2  }
0xb0: {  	[dreg:$0x4] =	wrdreg $0x9  }
0xb1: {  	_ =	task.clear_ibuf [dreg:s7], $0x5FFFF;
	_ =	strace $0x90000046  }
0xb2: {  	s29 =	simm.s32 $0x9;
	_ =	strace $0x80000048  }
0xb3: {  	_ =	swait.ge [sflag:s29], $0x1  }
0xb4: {  	[sflag:s29] =	ssyncadd.s32 $0xFFFFFFFF  }
0xb5: {  	_ =	strace $0x90000048  }
0xb6: {  	_ =	sfence  }
0xb7: {  	s30 =	sld [smem:$0x0];
	_ =	sdelay $0x2  }
0xb8: {  	s31 =	sshll.u32 s1, $0xD;
	s1 =	sshrl.u32 s1, $0x2  }
0xb9: {  	s3 =	sand.u32 $0x4000, s31;
	s1 =	sadd.s32 s1, s30  }
0xba: {  	s0 =	sor.u32 s3, s0;
	s1 =	sshll.u32 s1, $0x11  }
0xbb: {  	s0 =	sor.u32 s1, s0  }
0xbc: {  	s0 =	sadd.s32 $0x8F2B, s0  }
0xbd: {  	[sflag:s0] =	ssyncadd.remote.s32 $0x1  }
0xbe: {  	_ =	sfence.sel $0xFFFF  }
0xbf: {  	[dreg:$0x0] =	wrdreg $0xFFFFFFFF;
	(pc) =	sbr.abs _section_cstart, $3  }
0xc0: {  	[dreg:$0x1] =	wrdreg $0xFFFFFFFF  }
0xc1: {  	_ =	task.clear_ibuf [dreg:s7], $0x2FFFF;
	_ =	strace $0x9FFFFFFF  }
0xc2: {  	(tm) =	ssettm $0x7FFFFFFF  }
0xc3: {  	_ =	shalt  }
tec
execute0_lowered:
.L_overlay_start_1:
0x0: {  	(tag) =	ssettag $0x1  }
0x1: {  	v0 =	vimm.s32 $0xB80;
	vm0 =	vcmask $0x300  }
0x2: {  	vm14 =	vcmask $0x704;
	v0 =	vsel vm0, $0x0, v0  }
0x3: {  	vm15 =	vcmask $0xB08;
	v0 =	vsel vm14, $0x80, v0  }
0x4: {  	vm4 =	vcmask $0xF0C;
	v0 =	vsel vm15, $0x100, v0  }
0x5: {  	vm5 =	vcmask $0x1310;
	v0 =	vsel vm4, $0x180, v0  }
0x6: {  	s3 =	rddreg [dreg:$0x0];
	vm6 =	vcmask $0x1714;
	v0 =	vsel vm5, $0x200, v0  }
0x7: {  	s1 =	srdreg.scid;
	s0 =	stileid.u32;
	vm7 =	vcmask $0x1B18;
	v0 =	vsel vm6, $0x280, v0  }
0x8: {  	s4 =	rddreg [dreg:$0x1];
	s2 =	simm.s32 $0x0;
	vm8 =	vcmask $0x1F1C;
	s9 =	simm.s32 $0x400;
	v0 =	vsel vm7, $0x300, v0  }
0x9: {  	vm9 =	vcmask $0x2320;
	s10 =	simm.s32 $0x1C80;
	s5 =	sand.u32 $0x1, s1;
	s1 =	rddreg [dreg:$0x2];
	v0 =	vsel vm8, $0x380, v0  }
0xa: {  	vm10 =	vcmask $0x2724;
	s11 =	simm.s32 $0x0;
	s6 =	sshll.u32 s0, $0x1;
	[smem:$0x7FF] =	sst s2;
	v0 =	vsel vm9, $0x800, v0  }
0xb: {  	vm11 =	vcmask $0x2B28;
	s31 =	sshll.u32 s0, $0x6;
	s6 =	sor.u32 s5, s6;
	s5 =	ssub.s32 $0x2, s5;
	v0 =	vsel vm10, $0x880, v0  }
0xc: {  	vm12 =	vcmask $0x2F2C;
	s7 =	smul.u32 $0x188, s6;
	s8 =	sshrl.u32 s5, $0x1;
	s6 =	sshll.u32 s6, $0x4;
	v0 =	vsel vm11, $0x900, v0  }
0xd: {  	vm13 =	vcmask $0x3330;
	_ =	strace $0x80000047;
	s5 =	ssub.s32 s5, s8;
	s6 =	sand.u32 $0x70, s6;
	v0 =	vsel vm12, $0x980, v0  }
0xe: {  	vm14 =	vcmask $0x3734;
	s8 =	simm.s32 $0x80;
	s3 =	sadd.s32 s7, s3;
	s7 =	sand.u32 $0x300, s31;
	v0 =	vsel vm13, $0xA00, v0  }
0xf: {  	vm15 =	vcmask $0x3B38;
	s5 =	smax.u32 s5, $0x1;
	s4 =	sadd.s32 s4, s7;
	s3 =	sadd.s32 $0x1200, s3;
	v1 =	vsel vm14, $0xA80, v0  }
0x10: {  	v2 =	vimm.f32 $1.000000000e+00;
	s7 =	simm.s32 $0xC80;
	s4 =	sadd.s32 s6, s4;
	s6 =	simm.s32 $0x1;
	v0 =	vimm.f32 $0.0e+00;
	v1 =	vsel vm15, $0xB00, v1  }
.LBB2_1:
0x11: {  	[tilespmem:s2], [sflag:$0x1] =	stream.linear.gather [hbm4b:s3+s2], $0xC40, $0x38;
	[tilespmem:$0x1D80] =	vst v63  }
0x12: {  	_ =	swait.ge [sflag:s6], $0xC40  }
0x13: {  	s12 =	sand.u32 $0x70, s2;
	s13 =	sand.u32 $0x400, s2;
	[sflag:s6] =	ssyncset.done $0x0  }
0x14: {  	s12 =	sor.u32 s12, s13;
	[sflag:s6] =	ssyncadd.s32 $0xFFFFF3C0  }
0x15: {  	[tilespmem:s12+$0xD00] =	vst v0  }
0x16: {  	[tilespmem:s12+$0xD80] =	vst v0  }
0x17: {  	[tilespmem:s12+$0xE00] =	vst v0  }
0x18: {  	[tilespmem:s12+$0xE80] =	vst v0  }
0x19: {  	[tilespmem:s12+$0xF00] =	vst v0  }
0x1a: {  	s15 =	sor.u32 s2, s2;
	s14 =	simm.s32 $0x0;
	s13 =	simm.s32 $0x10;
	[tilespmem:s12+$0xF80] =	vst v0  }
.LBB2_2:
0x1b: {  	p0 =	sne.s32 s13, $0xF0;
	[tilespmem:s12+$0xC80] =	vst v0;
	s15 =	sor.u32 $0x380, s15  }
0x1c: {  	[tilespmem:s15+$0xC80] =	vst v0  }
0x1d: {  	[tilespmem:s12+$0x1480] =	vst v0  }
0x1e: {  	[tilespmem:s12+$0x1500] =	vst v0  }
0x1f: {  	[tilespmem:s12+$0x1580] =	vst v0  }
0x20: {  	[tilespmem:s12+$0x1600] =	vst v0  }
0x21: {  	[tilespmem:s12+$0x1680] =	vst v0  }
0x22: {  	s14 =	sadd.s32 $0x80, s14;
	[tilespmem:s12+$0x1700] =	vst v0  }
0x23: {  	s15 =	sand.u32 $0x70, s13;
	s16 =	sand.u32 $0x400, s14;
	[tilespmem:s12+$0x1780] =	vst v0  }
0x24: {  	[tilespmem:s12+$0x1800] =	vst v0;
	s12 =	sor.u32 s15, s16  }
0x25: {  	[tilespmem:s12+$0xD00] =	vst v0  }
.Ltmp0:
0x26: {  	[tilespmem:s12+$0xD80] =	vst v0;
	(pc) =	sbr.rel @p0 .LBB2_2-.Ltmp0, $4  }
0x27: {  	[tilespmem:s12+$0xE00] =	vst v0  }
0x28: {  	[tilespmem:s12+$0xE80] =	vst v0  }
0x29: {  	[tilespmem:s12+$0xF00] =	vst v0  }
0x2a: {  	s15 =	sor.u32 s14, s13;
	s13 =	sadd.s32 $0x10, s13;
	[tilespmem:s12+$0xF80] =	vst v0  }
0x2b: {  	[tilespmem:s12+$0xC80] =	vst v0;
	s13 =	sor.u32 $0x380, s15  }
0x2c: {  	[tilespmem:s13+$0xC80] =	vst v0  }
0x2d: {  	[tilespmem:s12+$0x1480] =	vst v0  }
0x2e: {  	[tilespmem:s12+$0x1500] =	vst v0  }
0x2f: {  	[tilespmem:s12+$0x1580] =	vst v0  }
0x30: {  	[tilespmem:s12+$0x1600] =	vst v0  }
0x31: {  	[tilespmem:s12+$0x1680] =	vst v0  }
0x32: {  	[tilespmem:s12+$0x1700] =	vst v0  }
0x33: {  	[tilespmem:s12+$0x1780] =	vst v0  }
0x34: {  	s13 =	simm.s32 $0x0;
	[tilespmem:s12+$0x1800] =	vst v0;
	s12 =	simm.s32 $0x0  }
.LBB2_4:
0x35: {  	s14 =	sshra.s32 s12, $0x2  }
0x36: {  	v3 =	vld [tilespmem:s14+$0x0];
	_ =	sdelay $0x4  }
0x37: {  	v4 =	vshll.u32 v3, $0x3  }
0x38: {  	v3 =	vand.u32 $0x7F, v3;
	v4 =	vand.u32 $0xFFFFFC00, v4  }
0x39: {  	v3 =	vor.u32 v3, v4  }
0x3a: {  	p0 =	sne.s32 s12, $0x30C0;
	v3 =	vadd.s32 v1, v3  }
.Ltmp1:
0x3b: {  	_ = 	snop;
	(pc) =	sbr.rel @p0 .LBB2_4-.Ltmp1, $2  }
0x3c: {  	_ =	sdelay $0x2  }
0x3d: {  	s12 =	sadd.s32 $0x40, s12;
	[tilespmem:v3+s7+$0x0] =	vst.idx.add.f32.msk $0xffff, v2  }
0x3e: {  	s12 =	sand.u32 $0x70, s13;
	s30 =	sand.u32 $0x400, s13  }
0x3f: {  	s12 =	sor.u32 s12, s30  }
0x40: {  	v3 =	vld [tilespmem:s12+$0xD00]  }
0x41: {  	v4 =	vld [tilespmem:s12+$0xC80];
	_ =	sdelay $0x1  }
0x42: {  	v5 =	vld [tilespmem:s12+$0xD80];
	_ =	sdelay $0x1  }
0x43: {  	v6 =	vld [tilespmem:s12+$0xE00]  }
0x44: {  	v3 =	vadd.f32 v3, v4  }
0x45: {  	v52 =	vld [tilespmem:s12+$0xE80]  }
0x46: {  	v3 =	vadd.f32 v5, v3  }
0x47: {  	v53 =	vld [tilespmem:s12+$0xF00]  }
0x48: {  	v3 =	vadd.f32 v6, v3  }
0x49: {  	v54 =	vld [tilespmem:s12+$0xF80]  }
0x4a: {  	v3 =	vadd.f32 v52, v3  }
0x4b: {  	v55 =	vld [tilespmem:s12+$0x1000]  }
0x4c: {  	v3 =	vadd.f32 v53, v3  }
0x4d: {  	v56 =	vld [tilespmem:s12+$0x1480]  }
0x4e: {  	v3 =	vadd.f32 v54, v3  }
0x4f: {  	v57 =	vld [tilespmem:s12+$0x1500]  }
0x50: {  	v3 =	vadd.f32 v55, v3  }
0x51: {  	v58 =	vld [tilespmem:s12+$0x1580]  }
0x52: {  	v3 =	vadd.f32 v56, v3  }
0x53: {  	v59 =	vld [tilespmem:s12+$0x1600]  }
0x54: {  	v3 =	vadd.f32 v57, v3  }
0x55: {  	v60 =	vld [tilespmem:s12+$0x1680]  }
0x56: {  	v3 =	vadd.f32 v58, v3  }
0x57: {  	v61 =	vld [tilespmem:s12+$0x1700]  }
0x58: {  	v3 =	vadd.f32 v59, v3  }
0x59: {  	v62 =	vld [tilespmem:s12+$0x1780]  }
0x5a: {  	v3 =	vadd.f32 v60, v3  }
0x5b: {  	v63 =	vld [tilespmem:s12+$0x1800]  }
0x5c: {  	v3 =	vadd.f32 v61, v3;
	_ =	sdelay $0x1  }
0x5d: {  	v3 =	vadd.f32 v62, v3;
	_ =	sdelay $0x1  }
0x5e: {  	s31 =	simm.s32 $0x10;
	s14 =	simm.s32 $0x80;
	v3 =	vadd.f32 v63, v3  }
0x5f: {  	s13 =	sand.u32 $0x70, s31;
	s15 =	sand.u32 $0x400, s14;
	s12 =	simm.s32 $0x1C80  }
0x60: {  	s13 =	sor.u32 s13, s15;
	s15 =	simm.s32 $0x20;
	[tilespmem:s12+$0x0] =	vst v3  }
.LBB2_6:
0x61: {  	p0 =	sne.s32 s15, $0xF0;
	v3 =	vld [tilespmem:s13+$0xD00]  }
0x62: {  	v4 =	vld [tilespmem:s13+$0xC80];
	_ =	sdelay $0x1  }
0x63: {  	v5 =	vld [tilespmem:s13+$0xD80];
	_ =	sdelay $0x1  }
0x64: {  	v6 =	vld [tilespmem:s13+$0xE00]  }
0x65: {  	v3 =	vadd.f32 v3, v4  }
0x66: {  	v4 =	vld [tilespmem:s13+$0xE80]  }
0x67: {  	v3 =	vadd.f32 v5, v3  }
0x68: {  	v5 =	vld [tilespmem:s13+$0xF00]  }
0x69: {  	v3 =	vadd.f32 v6, v3  }
0x6a: {  	v6 =	vld [tilespmem:s13+$0xF80]  }
0x6b: {  	v3 =	vadd.f32 v4, v3  }
0x6c: {  	v4 =	vld [tilespmem:s13+$0x1000]  }
0x6d: {  	v3 =	vadd.f32 v5, v3  }
0x6e: {  	v5 =	vld [tilespmem:s13+$0x1480]  }
0x6f: {  	v3 =	vadd.f32 v6, v3  }
0x70: {  	v6 =	vld [tilespmem:s13+$0x1500]  }
0x71: {  	v3 =	vadd.f32 v4, v3  }
0x72: {  	v4 =	vld [tilespmem:s13+$0x1580]  }
0x73: {  	v3 =	vadd.f32 v5, v3  }
0x74: {  	v5 =	vld [tilespmem:s13+$0x1600]  }
0x75: {  	v3 =	vadd.f32 v6, v3  }
0x76: {  	v6 =	vld [tilespmem:s13+$0x1680]  }
0x77: {  	v3 =	vadd.f32 v4, v3  }
0x78: {  	v4 =	vld [tilespmem:s13+$0x1700]  }
0x79: {  	v3 =	vadd.f32 v5, v3  }
0x7a: {  	v5 =	vld [tilespmem:s13+$0x1780]  }
0x7b: {  	v3 =	vadd.f32 v6, v3  }
0x7c: {  	v6 =	vld [tilespmem:s13+$0x1800]  }
0x7d: {  	v3 =	vadd.f32 v4, v3;
	_ =	sdelay $0x1  }
.Ltmp2:
0x7e: {  	v3 =	vadd.f32 v5, v3;
	(pc) =	sbr.rel @p0 .LBB2_6-.Ltmp2, $4  }
0x7f: {  	_ = 	snop  }
0x80: {  	s14 =	sadd.s32 $0x80, s14;
	v3 =	vadd.f32 v6, v3  }
0x81: {  	s12 =	sadd.s32 $0x10, s12;
	s16 =	sand.u32 $0x400, s14;
	s13 =	sand.u32 $0x70, s15  }
0x82: {  	s15 =	sadd.s32 $0x10, s15;
	s13 =	sor.u32 s13, s16;
	[tilespmem:s12+$0x0] =	vst v3  }
0x83: {  	v3 =	vld [tilespmem:s13+$0xD00]  }
0x84: {  	v4 =	vld [tilespmem:s13+$0xC80];
	_ =	sdelay $0x1  }
0x85: {  	v5 =	vld [tilespmem:s13+$0xD80];
	_ =	sdelay $0x1  }
0x86: {  	v6 =	vld [tilespmem:s13+$0xE00]  }
0x87: {  	v3 =	vadd.f32 v3, v4  }
0x88: {  	v52 =	vld [tilespmem:s13+$0xE80]  }
0x89: {  	v3 =	vadd.f32 v5, v3  }
0x8a: {  	v53 =	vld [tilespmem:s13+$0xF00]  }
0x8b: {  	v3 =	vadd.f32 v6, v3  }
0x8c: {  	v54 =	vld [tilespmem:s13+$0xF80]  }
0x8d: {  	v3 =	vadd.f32 v52, v3  }
0x8e: {  	v55 =	vld [tilespmem:s13+$0x1000]  }
0x8f: {  	v3 =	vadd.f32 v53, v3  }
0x90: {  	v56 =	vld [tilespmem:s13+$0x1480]  }
0x91: {  	v3 =	vadd.f32 v54, v3  }
0x92: {  	v57 =	vld [tilespmem:s13+$0x1500]  }
0x93: {  	v3 =	vadd.f32 v55, v3  }
0x94: {  	v58 =	vld [tilespmem:s13+$0x1580]  }
0x95: {  	v3 =	vadd.f32 v56, v3  }
0x96: {  	v59 =	vld [tilespmem:s13+$0x1600]  }
0x97: {  	v3 =	vadd.f32 v57, v3  }
0x98: {  	v60 =	vld [tilespmem:s13+$0x1680]  }
0x99: {  	v3 =	vadd.f32 v58, v3  }
0x9a: {  	v61 =	vld [tilespmem:s13+$0x1700]  }
0x9b: {  	v3 =	vadd.f32 v59, v3  }
0x9c: {  	v62 =	vld [tilespmem:s13+$0x1780]  }
0x9d: {  	v3 =	vadd.f32 v60, v3  }
0x9e: {  	v63 =	vld [tilespmem:s13+$0x1800]  }
0x9f: {  	v3 =	vadd.f32 v61, v3;
	_ =	sdelay $0x1  }
0xa0: {  	v3 =	vadd.f32 v62, v3;
	_ =	sdelay $0x1  }
0xa1: {  	s11 =	sadd.s32 $0x1, s11;
	v3 =	vadd.f32 v63, v3  }
0xa2: {  	s12 =	sadd.s32 $0x10, s12;
	p0 =	sne.s32 s11, s5  }
.Ltmp3:
0xa3: {  	[tilespmem:s12+$0x0] =	vst v3;
	(pc) =	sbr.rel @p0 .LBB2_1-.Ltmp3, $4  }
0xa4: {  	[hbm4b:s4+s8] =	stream.strided.scatter [tilespmem:s10], [sflag:$0x1], $0x100, s9, s8, $0x38;
	[tilespmem:$0x1D80] =	vst v63  }
0xa5: {  	_ =	swait.ge [sflag:s6], $0x100  }
0xa6: {  	[sflag:s6] =	ssyncset.done $0x0  }
0xa7: {  	[sflag:s6] =	ssyncadd.s32 $0xFFFFFF00  }
0xa8: {  	_ =	sfence.sel $0x180000  }
0xa9: {  	[bflag:$0x0] =	sbarrier.arrive $0xFFFF  }
0xaa: {  	p0 =	sne.s32 s0, $0x0;
	_ =	strace $0x90000047  }
0xab: {  	s0 =	sadd.s32 @!p0 $0x100000, s1;
	[bflag:$0x2] =	sbarrier.arrive $0xFFFF  }
0xac: {  	[sflag:s0] =	ssyncadd.tile.s32 @!p0 $0x1;
	_ =	shalt  }
.Lfunc_end2:
_tile_overlayer_lowered:
.L_overlay_start_2:
0xad: {  	(tag) =	ssettag $0x2  }
0xae: {  	s0 =	rddreg [dreg:$0x0];
	s2 =	stileid.u32  }
0xaf: {  	s1 =	rddreg [dreg:$0x1];
	p0 =	sne.s32 s2, $0x0  }
0xb0: {  	s3 =	rddreg [dreg:$0x2];
	[bflag:$0x3] =	sbarrier.arrive $0xFFFF;
	s2 =	simm.s32 @!p0 $0x1C01  }
0xb1: {  	[timem:s3], [sflag:s2] =	dma.local @!p0 [hbm:s0], s1  }
0xb2: {  	s0 =	simm.s32 @!p0 $0x1  }
0xb3: {  	_ =	swait.ge @!p0 [sflag:s0], s1  }
0xb4: {  	s1 =	ssub.s32 @!p0 $0x0, s1;
	[sflag:s0] =	ssyncset.done @!p0 $0x0  }
0xb5: {  	[sflag:s0] =	ssyncadd.s32 @!p0 s1  }
0xb6: {  	[bflag:$0x3] =	sbarrier.arrive $0xFFFF  }
0xb7: {  	_ =	shalt  }

</sc_bundles>
